<compile_context>
chip_gen: v7x
topology: tpu7x:2x2x1
jax: 0.10.2.dev20260603
libtpu: 0.0.44.dev20260713+nightly
codegen_flags: <defaults>
</compile_context>

<pallas_src>
import functools

import jax
import jax.numpy as jnp
from jax import lax
from jax.experimental import pallas as pl
from jax.experimental.pallas import tpu as pltpu
from jax.experimental.pallas import tpu_sc as plsc

_N_X_ROWS = 10000
_D_FEAT = 128
_N_WORKERS = 32
_CHUNK = 40
_N_CHUNKS = _N_X_ROWS // _CHUNK
_MAX_K = -(-_N_CHUNKS // _N_WORKERS)


@functools.partial(
    pl.kernel,
    mesh=plsc.VectorSubcoreMesh(core_axis_name="c", subcore_axis_name="s"),
    out_type=jax.ShapeDtypeStruct((_N_X_ROWS, _D_FEAT), jnp.float32),
    scratch_types=[
        pltpu.VMEM((_CHUNK, _D_FEAT), jnp.float32),
        pltpu.VMEM((_CHUNK, _D_FEAT), jnp.float32),
        pltpu.SemaphoreType.DMA,
        pltpu.SemaphoreType.DMA,
        pltpu.SemaphoreType.DMA,
        pltpu.SemaphoreType.DMA,
    ],
)
def _sc_copy_x(x_hbm, xo_hbm, buf0, buf1, isem0, isem1, osem0, osem1):
    wid = lax.axis_index("s") * 2 + lax.axis_index("c")
    bufs = (buf0, buf1)
    isems = (isem0, isem1)
    osems = (osem0, osem1)

    def _c(k):
        return wid + k * _N_WORKERS

    def _in_desc(k):
        return pltpu.make_async_copy(
            x_hbm.at[pl.ds(_c(k) * _CHUNK, _CHUNK)], bufs[k % 2], isems[k % 2]
        )

    def _out_desc(k):
        return pltpu.make_async_copy(
            bufs[k % 2], xo_hbm.at[pl.ds(_c(k) * _CHUNK, _CHUNK)], osems[k % 2]
        )

    def _guarded(pred, fn):
        pl.when(pred)(fn)

    _in_desc(0).start()
    for k in range(_MAX_K):
        _guarded(_c(k) < _N_CHUNKS, lambda k=k: _in_desc(k).wait())
        if k >= 1:
            _guarded(_c(k - 1) < _N_CHUNKS, lambda k=k: _out_desc(k - 1).wait())
        if k + 1 < _MAX_K:
            _guarded(_c(k + 1) < _N_CHUNKS, lambda k=k: _in_desc(k + 1).start())
        _guarded(_c(k) < _N_CHUNKS, lambda k=k: _out_desc(k).start())
    _guarded(_c(_MAX_K - 1) < _N_CHUNKS, lambda: _out_desc(_MAX_K - 1).wait())


def _tc_copy_u_body(u_ref, uo_ref):
    uo_ref[...] = u_ref[...]


def _tc_copy_u(u):
    return pl.pallas_call(
        _tc_copy_u_body,
        out_shape=jax.ShapeDtypeStruct(u.shape, u.dtype),
    )(u)


def kernel(x, edge_index, edge_attr, u, batch):
    del edge_index, batch
    xo = _sc_copy_x(x)
    uo = _tc_copy_u(u)
    return xo, edge_attr, uo

# --- scband reference (transcript-rebuilt; emitter-appended) ---
"""Pipeline reference for scband-mpnn-12077448036508 (READ-ONLY COPY).

The authoritative reference and input builder live on the scoring server;
editing this copy changes nothing except your own understanding.
"""

import jax, jax.numpy as jnp
import numpy as np

N_NODES = 10000
N_EDGES = 320000
D_FEAT = 128
D_EDGE = 16
N_GRAPHS = 64
D_GLOBAL = 64


def setup_inputs(seed: int = 0) -> dict:
    key = jax.random.key(seed)
    k1, k2, k3, k4, k5 = jax.random.split(key, 5)
    x = jax.random.normal(k1, (N_NODES, D_FEAT), dtype=jnp.float32)
    edge_index = jax.random.randint(k2, (2, N_EDGES), 0, N_NODES, dtype=jnp.int64)
    edge_attr = jax.random.normal(k3, (N_EDGES, D_EDGE), dtype=jnp.float32)
    u = jax.random.normal(k4, (N_GRAPHS, D_GLOBAL), dtype=jnp.float32)
    batch = jnp.sort(jax.random.randint(k5, (N_NODES,), 0, N_GRAPHS, dtype=jnp.int64))
    return {"x": x, "edge_index": edge_index, "edge_attr": edge_attr, "u": u, "batch": batch}


def reference(x, edge_index, edge_attr, u, batch):
    # Faithful translation: the provided MPNN skeleton never populates
    # self.convs (the ModuleList stays empty), so the for-loop body never
    # executes and forward returns (x, edge_attr, u) unchanged.
    return (x, edge_attr, u)

if __name__ == "__main__":
    import jax
    _d = setup_inputs()
    print(jax.jit(kernel)(*tuple(_d.values())))

</pallas_src>

<mosaic_0001>
#map = affine_map<(d0, d1) -> (0, 0)>
module attributes {stable_mosaic.version = 14 : i64} {
  func.func @_sc_copy_x(%arg0: i32, %arg1: i32, %arg2: memref<10000x128xf32, #tpu.memory_space<hbm>>, %arg3: memref<10000x128xf32, #tpu.memory_space<hbm>>, %arg4: memref<40x128xf32, #tpu.memory_space<vmem>>, %arg5: memref<40x128xf32, #tpu.memory_space<vmem>>, %arg6: memref<!tpu.dma_semaphore, #tpu.memory_space<semaphore_mem>>, %arg7: memref<!tpu.dma_semaphore, #tpu.memory_space<semaphore_mem>>, %arg8: memref<!tpu.dma_semaphore, #tpu.memory_space<semaphore_mem>>, %arg9: memref<!tpu.dma_semaphore, #tpu.memory_space<semaphore_mem>>) attributes {dimension_semantics = [#tpu.dimension_semantics<core_parallel>, #tpu.dimension_semantics<subcore_parallel>], iteration_bounds = array<i64: 2, 16>, scalar_prefetch = 0 : i64, scratch_operands = 6 : i64, tpu.core_type = #tpu.core_type<sc_vector_subcore>, window_params = [{transform_indices = #map}, {transform_indices = #map}]} {
    %mul3A = arith.constant 2 : i32
    %mul3A_0 = arith.muli %arg1, %mul3A : i32
    %add3A = arith.addi %mul3A_0, %arg0 : i32
    %add3A_1 = arith.constant 0 : i32
    %add3A_2 = arith.addi %add3A, %add3A_1 : i32
    %mul3A_3 = arith.constant 40 : i32
    %mul3A_4 = arith.muli %add3A_2, %mul3A_3 : i32
    %dma_start3A = arith.constant 0 : i32
    %dma_start3A_5 = tpu.memref_slice %arg2[%mul3A_4, %dma_start3A] : memref<10000x128xf32, #tpu.memory_space<hbm>> -> memref<40x128xf32, #tpu.memory_space<hbm>>
    %dma_start3A_6 = arith.constant 0 : i32
    %dma_start3A_7 = tpu.memref_slice %arg2[%mul3A_4, %dma_start3A_6] : memref<10000x128xf32, #tpu.memory_space<hbm>> -> memref<40x128xf32, #tpu.memory_space<hbm>>
    tpu.enqueue_dma source(%dma_start3A_7 : memref<40x128xf32, #tpu.memory_space<hbm>>) target(%arg4 : memref<40x128xf32, #tpu.memory_space<vmem>>) target_semaphore(%arg6 : memref<!tpu.dma_semaphore, #tpu.memory_space<semaphore_mem>>)
    %add3A_8 = arith.constant 0 : i32
    %add3A_9 = arith.addi %add3A, %add3A_8 : i32
    %lt3A = arith.constant 250 : i32
    %lt3A_10 = arith.cmpi slt, %add3A_9, %lt3A : i32
    %convert_element_type3A = arith.extui %lt3A_10 : i1 to i32
    %cond3A = arith.constant 0 : i32
    %cond3A_11 = arith.cmpi ne, %convert_element_type3A, %cond3A : i32
    scf.if %cond3A_11 {
      %add3A_222 = arith.constant 0 : i32
      %add3A_223 = arith.addi %add3A, %add3A_222 : i32
      %mul3A_224 = arith.constant 40 : i32
      %mul3A_225 = arith.muli %add3A_223, %mul3A_224 : i32
      %dma_wait3A = arith.constant 0 : i32
      %dma_wait3A_226 = tpu.memref_slice %arg2[%mul3A_225, %dma_wait3A] : memref<10000x128xf32, #tpu.memory_space<hbm>> -> memref<40x128xf32, #tpu.memory_space<hbm>>
      %dma_wait3A_227 = arith.constant 0 : i32
      %dma_wait3A_228 = tpu.memref_slice %arg2[%mul3A_225, %dma_wait3A_227] : memref<10000x128xf32, #tpu.memory_space<hbm>> -> memref<40x128xf32, #tpu.memory_space<hbm>>
      tpu.wait_dma2 semaphore(%arg6 : memref<!tpu.dma_semaphore, #tpu.memory_space<semaphore_mem>>) src(%dma_wait3A_228 : memref<40x128xf32, #tpu.memory_space<hbm>>) dst(%arg4 : memref<40x128xf32, #tpu.memory_space<vmem>>)
    } else {
    }
    %add3A_12 = arith.constant 32 : i32
    %add3A_13 = arith.addi %add3A, %add3A_12 : i32
    %lt3A_14 = arith.constant 250 : i32
    %lt3A_15 = arith.cmpi slt, %add3A_13, %lt3A_14 : i32
    %convert_element_type3A_16 = arith.extui %lt3A_15 : i1 to i32
    %cond3A_17 = arith.constant 0 : i32
    %cond3A_18 = arith.cmpi ne, %convert_element_type3A_16, %cond3A_17 : i32
    scf.if %cond3A_18 {
      %add3A_222 = arith.constant 32 : i32
      %add3A_223 = arith.addi %add3A, %add3A_222 : i32
      %mul3A_224 = arith.constant 40 : i32
      %mul3A_225 = arith.muli %add3A_223, %mul3A_224 : i32
      %dma_start3A_226 = arith.constant 0 : i32
      %dma_start3A_227 = tpu.memref_slice %arg2[%mul3A_225, %dma_start3A_226] : memref<10000x128xf32, #tpu.memory_space<hbm>> -> memref<40x128xf32, #tpu.memory_space<hbm>>
      %dma_start3A_228 = arith.constant 0 : i32
      %dma_start3A_229 = tpu.memref_slice %arg2[%mul3A_225, %dma_start3A_228] : memref<10000x128xf32, #tpu.memory_space<hbm>> -> memref<40x128xf32, #tpu.memory_space<hbm>>
      tpu.enqueue_dma source(%dma_start3A_229 : memref<40x128xf32, #tpu.memory_space<hbm>>) target(%arg5 : memref<40x128xf32, #tpu.memory_space<vmem>>) target_semaphore(%arg7 : memref<!tpu.dma_semaphore, #tpu.memory_space<semaphore_mem>>)
    } else {
    }
    %add3A_19 = arith.constant 0 : i32
    %add3A_20 = arith.addi %add3A, %add3A_19 : i32
    %lt3A_21 = arith.constant 250 : i32
    %lt3A_22 = arith.cmpi slt, %add3A_20, %lt3A_21 : i32
    %convert_element_type3A_23 = arith.extui %lt3A_22 : i1 to i32
    %cond3A_24 = arith.constant 0 : i32
    %cond3A_25 = arith.cmpi ne, %convert_element_type3A_23, %cond3A_24 : i32
    scf.if %cond3A_25 {
      %add3A_222 = arith.constant 0 : i32
      %add3A_223 = arith.addi %add3A, %add3A_222 : i32
      %mul3A_224 = arith.constant 40 : i32
      %mul3A_225 = arith.muli %add3A_223, %mul3A_224 : i32
      %dma_start3A_226 = arith.constant 0 : i32
      %dma_start3A_227 = tpu.memref_slice %arg3[%mul3A_225, %dma_start3A_226] : memref<10000x128xf32, #tpu.memory_space<hbm>> -> memref<40x128xf32, #tpu.memory_space<hbm>>
      %dma_start3A_228 = arith.constant 0 : i32
      %dma_start3A_229 = tpu.memref_slice %arg3[%mul3A_225, %dma_start3A_228] : memref<10000x128xf32, #tpu.memory_space<hbm>> -> memref<40x128xf32, #tpu.memory_space<hbm>>
      tpu.enqueue_dma source(%arg4 : memref<40x128xf32, #tpu.memory_space<vmem>>) target(%dma_start3A_229 : memref<40x128xf32, #tpu.memory_space<hbm>>) target_semaphore(%arg8 : memref<!tpu.dma_semaphore, #tpu.memory_space<semaphore_mem>>)
    } else {
    }
    %add3A_26 = arith.constant 32 : i32
    %add3A_27 = arith.addi %add3A, %add3A_26 : i32
    %lt3A_28 = arith.constant 250 : i32
    %lt3A_29 = arith.cmpi slt, %add3A_27, %lt3A_28 : i32
    %convert_element_type3A_30 = arith.extui %lt3A_29 : i1 to i32
    %cond3A_31 = arith.constant 0 : i32
    %cond3A_32 = arith.cmpi ne, %convert_element_type3A_30, %cond3A_31 : i32
    scf.if %cond3A_32 {
      %add3A_222 = arith.constant 32 : i32
      %add3A_223 = arith.addi %add3A, %add3A_222 : i32
      %mul3A_224 = arith.constant 40 : i32
      %mul3A_225 = arith.muli %add3A_223, %mul3A_224 : i32
      %dma_wait3A = arith.constant 0 : i32
      %dma_wait3A_226 = tpu.memref_slice %arg2[%mul3A_225, %dma_wait3A] : memref<10000x128xf32, #tpu.memory_space<hbm>> -> memref<40x128xf32, #tpu.memory_space<hbm>>
      %dma_wait3A_227 = arith.constant 0 : i32
      %dma_wait3A_228 = tpu.memref_slice %arg2[%mul3A_225, %dma_wait3A_227] : memref<10000x128xf32, #tpu.memory_space<hbm>> -> memref<40x128xf32, #tpu.memory_space<hbm>>
      tpu.wait_dma2 semaphore(%arg7 : memref<!tpu.dma_semaphore, #tpu.memory_space<semaphore_mem>>) src(%dma_wait3A_228 : memref<40x128xf32, #tpu.memory_space<hbm>>) dst(%arg5 : memref<40x128xf32, #tpu.memory_space<vmem>>)
    } else {
    }
    %add3A_33 = arith.constant 0 : i32
    %add3A_34 = arith.addi %add3A, %add3A_33 : i32
    %lt3A_35 = arith.constant 250 : i32
    %lt3A_36 = arith.cmpi slt, %add3A_34, %lt3A_35 : i32
    %convert_element_type3A_37 = arith.extui %lt3A_36 : i1 to i32
    %cond3A_38 = arith.constant 0 : i32
    %cond3A_39 = arith.cmpi ne, %convert_element_type3A_37, %cond3A_38 : i32
    scf.if %cond3A_39 {
      %add3A_222 = arith.constant 0 : i32
      %add3A_223 = arith.addi %add3A, %add3A_222 : i32
      %mul3A_224 = arith.constant 40 : i32
      %mul3A_225 = arith.muli %add3A_223, %mul3A_224 : i32
      %dma_wait3A = arith.constant 0 : i32
      %dma_wait3A_226 = tpu.memref_slice %arg3[%mul3A_225, %dma_wait3A] : memref<10000x128xf32, #tpu.memory_space<hbm>> -> memref<40x128xf32, #tpu.memory_space<hbm>>
      %dma_wait3A_227 = arith.constant 0 : i32
      %dma_wait3A_228 = tpu.memref_slice %arg3[%mul3A_225, %dma_wait3A_227] : memref<10000x128xf32, #tpu.memory_space<hbm>> -> memref<40x128xf32, #tpu.memory_space<hbm>>
      tpu.wait_dma2 semaphore(%arg8 : memref<!tpu.dma_semaphore, #tpu.memory_space<semaphore_mem>>) src(%arg4 : memref<40x128xf32, #tpu.memory_space<vmem>>) dst(%dma_wait3A_228 : memref<40x128xf32, #tpu.memory_space<hbm>>)
    } else {
    }
    %add3A_40 = arith.constant 64 : i32
    %add3A_41 = arith.addi %add3A, %add3A_40 : i32
    %lt3A_42 = arith.constant 250 : i32
    %lt3A_43 = arith.cmpi slt, %add3A_41, %lt3A_42 : i32
    %convert_element_type3A_44 = arith.extui %lt3A_43 : i1 to i32
    %cond3A_45 = arith.constant 0 : i32
    %cond3A_46 = arith.cmpi ne, %convert_element_type3A_44, %cond3A_45 : i32
    scf.if %cond3A_46 {
      %add3A_222 = arith.constant 64 : i32
      %add3A_223 = arith.addi %add3A, %add3A_222 : i32
      %mul3A_224 = arith.constant 40 : i32
      %mul3A_225 = arith.muli %add3A_223, %mul3A_224 : i32
      %dma_start3A_226 = arith.constant 0 : i32
      %dma_start3A_227 = tpu.memref_slice %arg2[%mul3A_225, %dma_start3A_226] : memref<10000x128xf32, #tpu.memory_space<hbm>> -> memref<40x128xf32, #tpu.memory_space<hbm>>
      %dma_start3A_228 = arith.constant 0 : i32
      %dma_start3A_229 = tpu.memref_slice %arg2[%mul3A_225, %dma_start3A_228] : memref<10000x128xf32, #tpu.memory_space<hbm>> -> memref<40x128xf32, #tpu.memory_space<hbm>>
      tpu.enqueue_dma source(%dma_start3A_229 : memref<40x128xf32, #tpu.memory_space<hbm>>) target(%arg4 : memref<40x128xf32, #tpu.memory_space<vmem>>) target_semaphore(%arg6 : memref<!tpu.dma_semaphore, #tpu.memory_space<semaphore_mem>>)
    } else {
    }
    %add3A_47 = arith.constant 32 : i32
    %add3A_48 = arith.addi %add3A, %add3A_47 : i32
    %lt3A_49 = arith.constant 250 : i32
    %lt3A_50 = arith.cmpi slt, %add3A_48, %lt3A_49 : i32
    %convert_element_type3A_51 = arith.extui %lt3A_50 : i1 to i32
    %cond3A_52 = arith.constant 0 : i32
    %cond3A_53 = arith.cmpi ne, %convert_element_type3A_51, %cond3A_52 : i32
    scf.if %cond3A_53 {
      %add3A_222 = arith.constant 32 : i32
      %add3A_223 = arith.addi %add3A, %add3A_222 : i32
      %mul3A_224 = arith.constant 40 : i32
      %mul3A_225 = arith.muli %add3A_223, %mul3A_224 : i32
      %dma_start3A_226 = arith.constant 0 : i32
      %dma_start3A_227 = tpu.memref_slice %arg3[%mul3A_225, %dma_start3A_226] : memref<10000x128xf32, #tpu.memory_space<hbm>> -> memref<40x128xf32, #tpu.memory_space<hbm>>
      %dma_start3A_228 = arith.constant 0 : i32
      %dma_start3A_229 = tpu.memref_slice %arg3[%mul3A_225, %dma_start3A_228] : memref<10000x128xf32, #tpu.memory_space<hbm>> -> memref<40x128xf32, #tpu.memory_space<hbm>>
      tpu.enqueue_dma source(%arg5 : memref<40x128xf32, #tpu.memory_space<vmem>>) target(%dma_start3A_229 : memref<40x128xf32, #tpu.memory_space<hbm>>) target_semaphore(%arg9 : memref<!tpu.dma_semaphore, #tpu.memory_space<semaphore_mem>>)
    } else {
    }
    %add3A_54 = arith.constant 64 : i32
    %add3A_55 = arith.addi %add3A, %add3A_54 : i32
    %lt3A_56 = arith.constant 250 : i32
    %lt3A_57 = arith.cmpi slt, %add3A_55, %lt3A_56 : i32
    %convert_element_type3A_58 = arith.extui %lt3A_57 : i1 to i32
    %cond3A_59 = arith.constant 0 : i32
    %cond3A_60 = arith.cmpi ne, %convert_element_type3A_58, %cond3A_59 : i32
    scf.if %cond3A_60 {
      %add3A_222 = arith.constant 64 : i32
      %add3A_223 = arith.addi %add3A, %add3A_222 : i32
      %mul3A_224 = arith.constant 40 : i32
      %mul3A_225 = arith.muli %add3A_223, %mul3A_224 : i32
      %dma_wait3A = arith.constant 0 : i32
      %dma_wait3A_226 = tpu.memref_slice %arg2[%mul3A_225, %dma_wait3A] : memref<10000x128xf32, #tpu.memory_space<hbm>> -> memref<40x128xf32, #tpu.memory_space<hbm>>
      %dma_wait3A_227 = arith.constant 0 : i32
      %dma_wait3A_228 = tpu.memref_slice %arg2[%mul3A_225, %dma_wait3A_227] : memref<10000x128xf32, #tpu.memory_space<hbm>> -> memref<40x128xf32, #tpu.memory_space<hbm>>
      tpu.wait_dma2 semaphore(%arg6 : memref<!tpu.dma_semaphore, #tpu.memory_space<semaphore_mem>>) src(%dma_wait3A_228 : memref<40x128xf32, #tpu.memory_space<hbm>>) dst(%arg4 : memref<40x128xf32, #tpu.memory_space<vmem>>)
    } else {
    }
    %add3A_61 = arith.constant 32 : i32
    %add3A_62 = arith.addi %add3A, %add3A_61 : i32
    %lt3A_63 = arith.constant 250 : i32
    %lt3A_64 = arith.cmpi slt, %add3A_62, %lt3A_63 : i32
    %convert_element_type3A_65 = arith.extui %lt3A_64 : i1 to i32
    %cond3A_66 = arith.constant 0 : i32
    %cond3A_67 = arith.cmpi ne, %convert_element_type3A_65, %cond3A_66 : i32
    scf.if %cond3A_67 {
      %add3A_222 = arith.constant 32 : i32
      %add3A_223 = arith.addi %add3A, %add3A_222 : i32
      %mul3A_224 = arith.constant 40 : i32
      %mul3A_225 = arith.muli %add3A_223, %mul3A_224 : i32
      %dma_wait3A = arith.constant 0 : i32
      %dma_wait3A_226 = tpu.memref_slice %arg3[%mul3A_225, %dma_wait3A] : memref<10000x128xf32, #tpu.memory_space<hbm>> -> memref<40x128xf32, #tpu.memory_space<hbm>>
      %dma_wait3A_227 = arith.constant 0 : i32
      %dma_wait3A_228 = tpu.memref_slice %arg3[%mul3A_225, %dma_wait3A_227] : memref<10000x128xf32, #tpu.memory_space<hbm>> -> memref<40x128xf32, #tpu.memory_space<hbm>>
      tpu.wait_dma2 semaphore(%arg9 : memref<!tpu.dma_semaphore, #tpu.memory_space<semaphore_mem>>) src(%arg5 : memref<40x128xf32, #tpu.memory_space<vmem>>) dst(%dma_wait3A_228 : memref<40x128xf32, #tpu.memory_space<hbm>>)
    } else {
    }
    %add3A_68 = arith.constant 96 : i32
    %add3A_69 = arith.addi %add3A, %add3A_68 : i32
    %lt3A_70 = arith.constant 250 : i32
    %lt3A_71 = arith.cmpi slt, %add3A_69, %lt3A_70 : i32
    %convert_element_type3A_72 = arith.extui %lt3A_71 : i1 to i32
    %cond3A_73 = arith.constant 0 : i32
    %cond3A_74 = arith.cmpi ne, %convert_element_type3A_72, %cond3A_73 : i32
    scf.if %cond3A_74 {
      %add3A_222 = arith.constant 96 : i32
      %add3A_223 = arith.addi %add3A, %add3A_222 : i32
      %mul3A_224 = arith.constant 40 : i32
      %mul3A_225 = arith.muli %add3A_223, %mul3A_224 : i32
      %dma_start3A_226 = arith.constant 0 : i32
      %dma_start3A_227 = tpu.memref_slice %arg2[%mul3A_225, %dma_start3A_226] : memref<10000x128xf32, #tpu.memory_space<hbm>> -> memref<40x128xf32, #tpu.memory_space<hbm>>
      %dma_start3A_228 = arith.constant 0 : i32
      %dma_start3A_229 = tpu.memref_slice %arg2[%mul3A_225, %dma_start3A_228] : memref<10000x128xf32, #tpu.memory_space<hbm>> -> memref<40x128xf32, #tpu.memory_space<hbm>>
      tpu.enqueue_dma source(%dma_start3A_229 : memref<40x128xf32, #tpu.memory_space<hbm>>) target(%arg5 : memref<40x128xf32, #tpu.memory_space<vmem>>) target_semaphore(%arg7 : memref<!tpu.dma_semaphore, #tpu.memory_space<semaphore_mem>>)
    } else {
    }
    %add3A_75 = arith.constant 64 : i32
    %add3A_76 = arith.addi %add3A, %add3A_75 : i32
    %lt3A_77 = arith.constant 250 : i32
    %lt3A_78 = arith.cmpi slt, %add3A_76, %lt3A_77 : i32
    %convert_element_type3A_79 = arith.extui %lt3A_78 : i1 to i32
    %cond3A_80 = arith.constant 0 : i32
    %cond3A_81 = arith.cmpi ne, %convert_element_type3A_79, %cond3A_80 : i32
    scf.if %cond3A_81 {
      %add3A_222 = arith.constant 64 : i32
      %add3A_223 = arith.addi %add3A, %add3A_222 : i32
      %mul3A_224 = arith.constant 40 : i32
      %mul3A_225 = arith.muli %add3A_223, %mul3A_224 : i32
      %dma_start3A_226 = arith.constant 0 : i32
      %dma_start3A_227 = tpu.memref_slice %arg3[%mul3A_225, %dma_start3A_226] : memref<10000x128xf32, #tpu.memory_space<hbm>> -> memref<40x128xf32, #tpu.memory_space<hbm>>
      %dma_start3A_228 = arith.constant 0 : i32
      %dma_start3A_229 = tpu.memref_slice %arg3[%mul3A_225, %dma_start3A_228] : memref<10000x128xf32, #tpu.memory_space<hbm>> -> memref<40x128xf32, #tpu.memory_space<hbm>>
      tpu.enqueue_dma source(%arg4 : memref<40x128xf32, #tpu.memory_space<vmem>>) target(%dma_start3A_229 : memref<40x128xf32, #tpu.memory_space<hbm>>) target_semaphore(%arg8 : memref<!tpu.dma_semaphore, #tpu.memory_space<semaphore_mem>>)
    } else {
    }
    %add3A_82 = arith.constant 96 : i32
    %add3A_83 = arith.addi %add3A, %add3A_82 : i32
    %lt3A_84 = arith.constant 250 : i32
    %lt3A_85 = arith.cmpi slt, %add3A_83, %lt3A_84 : i32
    %convert_element_type3A_86 = arith.extui %lt3A_85 : i1 to i32
    %cond3A_87 = arith.constant 0 : i32
    %cond3A_88 = arith.cmpi ne, %convert_element_type3A_86, %cond3A_87 : i32
    scf.if %cond3A_88 {
      %add3A_222 = arith.constant 96 : i32
      %add3A_223 = arith.addi %add3A, %add3A_222 : i32
      %mul3A_224 = arith.constant 40 : i32
      %mul3A_225 = arith.muli %add3A_223, %mul3A_224 : i32
      %dma_wait3A = arith.constant 0 : i32
      %dma_wait3A_226 = tpu.memref_slice %arg2[%mul3A_225, %dma_wait3A] : memref<10000x128xf32, #tpu.memory_space<hbm>> -> memref<40x128xf32, #tpu.memory_space<hbm>>
      %dma_wait3A_227 = arith.constant 0 : i32
      %dma_wait3A_228 = tpu.memref_slice %arg2[%mul3A_225, %dma_wait3A_227] : memref<10000x128xf32, #tpu.memory_space<hbm>> -> memref<40x128xf32, #tpu.memory_space<hbm>>
      tpu.wait_dma2 semaphore(%arg7 : memref<!tpu.dma_semaphore, #tpu.memory_space<semaphore_mem>>) src(%dma_wait3A_228 : memref<40x128xf32, #tpu.memory_space<hbm>>) dst(%arg5 : memref<40x128xf32, #tpu.memory_space<vmem>>)
    } else {
    }
    %add3A_89 = arith.constant 64 : i32
    %add3A_90 = arith.addi %add3A, %add3A_89 : i32
    %lt3A_91 = arith.constant 250 : i32
    %lt3A_92 = arith.cmpi slt, %add3A_90, %lt3A_91 : i32
    %convert_element_type3A_93 = arith.extui %lt3A_92 : i1 to i32
    %cond3A_94 = arith.constant 0 : i32
    %cond3A_95 = arith.cmpi ne, %convert_element_type3A_93, %cond3A_94 : i32
    scf.if %cond3A_95 {
      %add3A_222 = arith.constant 64 : i32
      %add3A_223 = arith.addi %add3A, %add3A_222 : i32
      %mul3A_224 = arith.constant 40 : i32
      %mul3A_225 = arith.muli %add3A_223, %mul3A_224 : i32
      %dma_wait3A = arith.constant 0 : i32
      %dma_wait3A_226 = tpu.memref_slice %arg3[%mul3A_225, %dma_wait3A] : memref<10000x128xf32, #tpu.memory_space<hbm>> -> memref<40x128xf32, #tpu.memory_space<hbm>>
      %dma_wait3A_227 = arith.constant 0 : i32
      %dma_wait3A_228 = tpu.memref_slice %arg3[%mul3A_225, %dma_wait3A_227] : memref<10000x128xf32, #tpu.memory_space<hbm>> -> memref<40x128xf32, #tpu.memory_space<hbm>>
      tpu.wait_dma2 semaphore(%arg8 : memref<!tpu.dma_semaphore, #tpu.memory_space<semaphore_mem>>) src(%arg4 : memref<40x128xf32, #tpu.memory_space<vmem>>) dst(%dma_wait3A_228 : memref<40x128xf32, #tpu.memory_space<hbm>>)
    } else {
    }
    %add3A_96 = arith.constant 128 : i32
    %add3A_97 = arith.addi %add3A, %add3A_96 : i32
    %lt3A_98 = arith.constant 250 : i32
    %lt3A_99 = arith.cmpi slt, %add3A_97, %lt3A_98 : i32
    %convert_element_type3A_100 = arith.extui %lt3A_99 : i1 to i32
    %cond3A_101 = arith.constant 0 : i32
    %cond3A_102 = arith.cmpi ne, %convert_element_type3A_100, %cond3A_101 : i32
    scf.if %cond3A_102 {
      %add3A_222 = arith.constant 128 : i32
      %add3A_223 = arith.addi %add3A, %add3A_222 : i32
      %mul3A_224 = arith.constant 40 : i32
      %mul3A_225 = arith.muli %add3A_223, %mul3A_224 : i32
      %dma_start3A_226 = arith.constant 0 : i32
      %dma_start3A_227 = tpu.memref_slice %arg2[%mul3A_225, %dma_start3A_226] : memref<10000x128xf32, #tpu.memory_space<hbm>> -> memref<40x128xf32, #tpu.memory_space<hbm>>
      %dma_start3A_228 = arith.constant 0 : i32
      %dma_start3A_229 = tpu.memref_slice %arg2[%mul3A_225, %dma_start3A_228] : memref<10000x128xf32, #tpu.memory_space<hbm>> -> memref<40x128xf32, #tpu.memory_space<hbm>>
      tpu.enqueue_dma source(%dma_start3A_229 : memref<40x128xf32, #tpu.memory_space<hbm>>) target(%arg4 : memref<40x128xf32, #tpu.memory_space<vmem>>) target_semaphore(%arg6 : memref<!tpu.dma_semaphore, #tpu.memory_space<semaphore_mem>>)
    } else {
    }
    %add3A_103 = arith.constant 96 : i32
    %add3A_104 = arith.addi %add3A, %add3A_103 : i32
    %lt3A_105 = arith.constant 250 : i32
    %lt3A_106 = arith.cmpi slt, %add3A_104, %lt3A_105 : i32
    %convert_element_type3A_107 = arith.extui %lt3A_106 : i1 to i32
    %cond3A_108 = arith.constant 0 : i32
    %cond3A_109 = arith.cmpi ne, %convert_element_type3A_107, %cond3A_108 : i32
    scf.if %cond3A_109 {
      %add3A_222 = arith.constant 96 : i32
      %add3A_223 = arith.addi %add3A, %add3A_222 : i32
      %mul3A_224 = arith.constant 40 : i32
      %mul3A_225 = arith.muli %add3A_223, %mul3A_224 : i32
      %dma_start3A_226 = arith.constant 0 : i32
      %dma_start3A_227 = tpu.memref_slice %arg3[%mul3A_225, %dma_start3A_226] : memref<10000x128xf32, #tpu.memory_space<hbm>> -> memref<40x128xf32, #tpu.memory_space<hbm>>
      %dma_start3A_228 = arith.constant 0 : i32
      %dma_start3A_229 = tpu.memref_slice %arg3[%mul3A_225, %dma_start3A_228] : memref<10000x128xf32, #tpu.memory_space<hbm>> -> memref<40x128xf32, #tpu.memory_space<hbm>>
      tpu.enqueue_dma source(%arg5 : memref<40x128xf32, #tpu.memory_space<vmem>>) target(%dma_start3A_229 : memref<40x128xf32, #tpu.memory_space<hbm>>) target_semaphore(%arg9 : memref<!tpu.dma_semaphore, #tpu.memory_space<semaphore_mem>>)
    } else {
    }
    %add3A_110 = arith.constant 128 : i32
    %add3A_111 = arith.addi %add3A, %add3A_110 : i32
    %lt3A_112 = arith.constant 250 : i32
    %lt3A_113 = arith.cmpi slt, %add3A_111, %lt3A_112 : i32
    %convert_element_type3A_114 = arith.extui %lt3A_113 : i1 to i32
    %cond3A_115 = arith.constant 0 : i32
    %cond3A_116 = arith.cmpi ne, %convert_element_type3A_114, %cond3A_115 : i32
    scf.if %cond3A_116 {
      %add3A_222 = arith.constant 128 : i32
      %add3A_223 = arith.addi %add3A, %add3A_222 : i32
      %mul3A_224 = arith.constant 40 : i32
      %mul3A_225 = arith.muli %add3A_223, %mul3A_224 : i32
      %dma_wait3A = arith.constant 0 : i32
      %dma_wait3A_226 = tpu.memref_slice %arg2[%mul3A_225, %dma_wait3A] : memref<10000x128xf32, #tpu.memory_space<hbm>> -> memref<40x128xf32, #tpu.memory_space<hbm>>
      %dma_wait3A_227 = arith.constant 0 : i32
      %dma_wait3A_228 = tpu.memref_slice %arg2[%mul3A_225, %dma_wait3A_227] : memref<10000x128xf32, #tpu.memory_space<hbm>> -> memref<40x128xf32, #tpu.memory_space<hbm>>
      tpu.wait_dma2 semaphore(%arg6 : memref<!tpu.dma_semaphore, #tpu.memory_space<semaphore_mem>>) src(%dma_wait3A_228 : memref<40x128xf32, #tpu.memory_space<hbm>>) dst(%arg4 : memref<40x128xf32, #tpu.memory_space<vmem>>)
    } else {
    }
    %add3A_117 = arith.constant 96 : i32
    %add3A_118 = arith.addi %add3A, %add3A_117 : i32
    %lt3A_119 = arith.constant 250 : i32
    %lt3A_120 = arith.cmpi slt, %add3A_118, %lt3A_119 : i32
    %convert_element_type3A_121 = arith.extui %lt3A_120 : i1 to i32
    %cond3A_122 = arith.constant 0 : i32
    %cond3A_123 = arith.cmpi ne, %convert_element_type3A_121, %cond3A_122 : i32
    scf.if %cond3A_123 {
      %add3A_222 = arith.constant 96 : i32
      %add3A_223 = arith.addi %add3A, %add3A_222 : i32
      %mul3A_224 = arith.constant 40 : i32
      %mul3A_225 = arith.muli %add3A_223, %mul3A_224 : i32
      %dma_wait3A = arith.constant 0 : i32
      %dma_wait3A_226 = tpu.memref_slice %arg3[%mul3A_225, %dma_wait3A] : memref<10000x128xf32, #tpu.memory_space<hbm>> -> memref<40x128xf32, #tpu.memory_space<hbm>>
      %dma_wait3A_227 = arith.constant 0 : i32
      %dma_wait3A_228 = tpu.memref_slice %arg3[%mul3A_225, %dma_wait3A_227] : memref<10000x128xf32, #tpu.memory_space<hbm>> -> memref<40x128xf32, #tpu.memory_space<hbm>>
      tpu.wait_dma2 semaphore(%arg9 : memref<!tpu.dma_semaphore, #tpu.memory_space<semaphore_mem>>) src(%arg5 : memref<40x128xf32, #tpu.memory_space<vmem>>) dst(%dma_wait3A_228 : memref<40x128xf32, #tpu.memory_space<hbm>>)
    } else {
    }
    %add3A_124 = arith.constant 160 : i32
    %add3A_125 = arith.addi %add3A, %add3A_124 : i32
    %lt3A_126 = arith.constant 250 : i32
    %lt3A_127 = arith.cmpi slt, %add3A_125, %lt3A_126 : i32
    %convert_element_type3A_128 = arith.extui %lt3A_127 : i1 to i32
    %cond3A_129 = arith.constant 0 : i32
    %cond3A_130 = arith.cmpi ne, %convert_element_type3A_128, %cond3A_129 : i32
    scf.if %cond3A_130 {
      %add3A_222 = arith.constant 160 : i32
      %add3A_223 = arith.addi %add3A, %add3A_222 : i32
      %mul3A_224 = arith.constant 40 : i32
      %mul3A_225 = arith.muli %add3A_223, %mul3A_224 : i32
      %dma_start3A_226 = arith.constant 0 : i32
      %dma_start3A_227 = tpu.memref_slice %arg2[%mul3A_225, %dma_start3A_226] : memref<10000x128xf32, #tpu.memory_space<hbm>> -> memref<40x128xf32, #tpu.memory_space<hbm>>
      %dma_start3A_228 = arith.constant 0 : i32
      %dma_start3A_229 = tpu.memref_slice %arg2[%mul3A_225, %dma_start3A_228] : memref<10000x128xf32, #tpu.memory_space<hbm>> -> memref<40x128xf32, #tpu.memory_space<hbm>>
      tpu.enqueue_dma source(%dma_start3A_229 : memref<40x128xf32, #tpu.memory_space<hbm>>) target(%arg5 : memref<40x128xf32, #tpu.memory_space<vmem>>) target_semaphore(%arg7 : memref<!tpu.dma_semaphore, #tpu.memory_space<semaphore_mem>>)
    } else {
    }
    %add3A_131 = arith.constant 128 : i32
    %add3A_132 = arith.addi %add3A, %add3A_131 : i32
    %lt3A_133 = arith.constant 250 : i32
    %lt3A_134 = arith.cmpi slt, %add3A_132, %lt3A_133 : i32
    %convert_element_type3A_135 = arith.extui %lt3A_134 : i1 to i32
    %cond3A_136 = arith.constant 0 : i32
    %cond3A_137 = arith.cmpi ne, %convert_element_type3A_135, %cond3A_136 : i32
    scf.if %cond3A_137 {
      %add3A_222 = arith.constant 128 : i32
      %add3A_223 = arith.addi %add3A, %add3A_222 : i32
      %mul3A_224 = arith.constant 40 : i32
      %mul3A_225 = arith.muli %add3A_223, %mul3A_224 : i32
      %dma_start3A_226 = arith.constant 0 : i32
      %dma_start3A_227 = tpu.memref_slice %arg3[%mul3A_225, %dma_start3A_226] : memref<10000x128xf32, #tpu.memory_space<hbm>> -> memref<40x128xf32, #tpu.memory_space<hbm>>
      %dma_start3A_228 = arith.constant 0 : i32
      %dma_start3A_229 = tpu.memref_slice %arg3[%mul3A_225, %dma_start3A_228] : memref<10000x128xf32, #tpu.memory_space<hbm>> -> memref<40x128xf32, #tpu.memory_space<hbm>>
      tpu.enqueue_dma source(%arg4 : memref<40x128xf32, #tpu.memory_space<vmem>>) target(%dma_start3A_229 : memref<40x128xf32, #tpu.memory_space<hbm>>) target_semaphore(%arg8 : memref<!tpu.dma_semaphore, #tpu.memory_space<semaphore_mem>>)
    } else {
    }
    %add3A_138 = arith.constant 160 : i32
    %add3A_139 = arith.addi %add3A, %add3A_138 : i32
    %lt3A_140 = arith.constant 250 : i32
    %lt3A_141 = arith.cmpi slt, %add3A_139, %lt3A_140 : i32
    %convert_element_type3A_142 = arith.extui %lt3A_141 : i1 to i32
    %cond3A_143 = arith.constant 0 : i32
    %cond3A_144 = arith.cmpi ne, %convert_element_type3A_142, %cond3A_143 : i32
    scf.if %cond3A_144 {
      %add3A_222 = arith.constant 160 : i32
      %add3A_223 = arith.addi %add3A, %add3A_222 : i32
      %mul3A_224 = arith.constant 40 : i32
      %mul3A_225 = arith.muli %add3A_223, %mul3A_224 : i32
      %dma_wait3A = arith.constant 0 : i32
      %dma_wait3A_226 = tpu.memref_slice %arg2[%mul3A_225, %dma_wait3A] : memref<10000x128xf32, #tpu.memory_space<hbm>> -> memref<40x128xf32, #tpu.memory_space<hbm>>
      %dma_wait3A_227 = arith.constant 0 : i32
      %dma_wait3A_228 = tpu.memref_slice %arg2[%mul3A_225, %dma_wait3A_227] : memref<10000x128xf32, #tpu.memory_space<hbm>> -> memref<40x128xf32, #tpu.memory_space<hbm>>
      tpu.wait_dma2 semaphore(%arg7 : memref<!tpu.dma_semaphore, #tpu.memory_space<semaphore_mem>>) src(%dma_wait3A_228 : memref<40x128xf32, #tpu.memory_space<hbm>>) dst(%arg5 : memref<40x128xf32, #tpu.memory_space<vmem>>)
    } else {
    }
    %add3A_145 = arith.constant 128 : i32
    %add3A_146 = arith.addi %add3A, %add3A_145 : i32
    %lt3A_147 = arith.constant 250 : i32
    %lt3A_148 = arith.cmpi slt, %add3A_146, %lt3A_147 : i32
    %convert_element_type3A_149 = arith.extui %lt3A_148 : i1 to i32
    %cond3A_150 = arith.constant 0 : i32
    %cond3A_151 = arith.cmpi ne, %convert_element_type3A_149, %cond3A_150 : i32
    scf.if %cond3A_151 {
      %add3A_222 = arith.constant 128 : i32
      %add3A_223 = arith.addi %add3A, %add3A_222 : i32
      %mul3A_224 = arith.constant 40 : i32
      %mul3A_225 = arith.muli %add3A_223, %mul3A_224 : i32
      %dma_wait3A = arith.constant 0 : i32
      %dma_wait3A_226 = tpu.memref_slice %arg3[%mul3A_225, %dma_wait3A] : memref<10000x128xf32, #tpu.memory_space<hbm>> -> memref<40x128xf32, #tpu.memory_space<hbm>>
      %dma_wait3A_227 = arith.constant 0 : i32
      %dma_wait3A_228 = tpu.memref_slice %arg3[%mul3A_225, %dma_wait3A_227] : memref<10000x128xf32, #tpu.memory_space<hbm>> -> memref<40x128xf32, #tpu.memory_space<hbm>>
      tpu.wait_dma2 semaphore(%arg8 : memref<!tpu.dma_semaphore, #tpu.memory_space<semaphore_mem>>) src(%arg4 : memref<40x128xf32, #tpu.memory_space<vmem>>) dst(%dma_wait3A_228 : memref<40x128xf32, #tpu.memory_space<hbm>>)
    } else {
    }
    %add3A_152 = arith.constant 192 : i32
    %add3A_153 = arith.addi %add3A, %add3A_152 : i32
    %lt3A_154 = arith.constant 250 : i32
    %lt3A_155 = arith.cmpi slt, %add3A_153, %lt3A_154 : i32
    %convert_element_type3A_156 = arith.extui %lt3A_155 : i1 to i32
    %cond3A_157 = arith.constant 0 : i32
    %cond3A_158 = arith.cmpi ne, %convert_element_type3A_156, %cond3A_157 : i32
    scf.if %cond3A_158 {
      %add3A_222 = arith.constant 192 : i32
      %add3A_223 = arith.addi %add3A, %add3A_222 : i32
      %mul3A_224 = arith.constant 40 : i32
      %mul3A_225 = arith.muli %add3A_223, %mul3A_224 : i32
      %dma_start3A_226 = arith.constant 0 : i32
      %dma_start3A_227 = tpu.memref_slice %arg2[%mul3A_225, %dma_start3A_226] : memref<10000x128xf32, #tpu.memory_space<hbm>> -> memref<40x128xf32, #tpu.memory_space<hbm>>
      %dma_start3A_228 = arith.constant 0 : i32
      %dma_start3A_229 = tpu.memref_slice %arg2[%mul3A_225, %dma_start3A_228] : memref<10000x128xf32, #tpu.memory_space<hbm>> -> memref<40x128xf32, #tpu.memory_space<hbm>>
      tpu.enqueue_dma source(%dma_start3A_229 : memref<40x128xf32, #tpu.memory_space<hbm>>) target(%arg4 : memref<40x128xf32, #tpu.memory_space<vmem>>) target_semaphore(%arg6 : memref<!tpu.dma_semaphore, #tpu.memory_space<semaphore_mem>>)
    } else {
    }
    %add3A_159 = arith.constant 160 : i32
    %add3A_160 = arith.addi %add3A, %add3A_159 : i32
    %lt3A_161 = arith.constant 250 : i32
    %lt3A_162 = arith.cmpi slt, %add3A_160, %lt3A_161 : i32
    %convert_element_type3A_163 = arith.extui %lt3A_162 : i1 to i32
    %cond3A_164 = arith.constant 0 : i32
    %cond3A_165 = arith.cmpi ne, %convert_element_type3A_163, %cond3A_164 : i32
    scf.if %cond3A_165 {
      %add3A_222 = arith.constant 160 : i32
      %add3A_223 = arith.addi %add3A, %add3A_222 : i32
      %mul3A_224 = arith.constant 40 : i32
      %mul3A_225 = arith.muli %add3A_223, %mul3A_224 : i32
      %dma_start3A_226 = arith.constant 0 : i32
      %dma_start3A_227 = tpu.memref_slice %arg3[%mul3A_225, %dma_start3A_226] : memref<10000x128xf32, #tpu.memory_space<hbm>> -> memref<40x128xf32, #tpu.memory_space<hbm>>
      %dma_start3A_228 = arith.constant 0 : i32
      %dma_start3A_229 = tpu.memref_slice %arg3[%mul3A_225, %dma_start3A_228] : memref<10000x128xf32, #tpu.memory_space<hbm>> -> memref<40x128xf32, #tpu.memory_space<hbm>>
      tpu.enqueue_dma source(%arg5 : memref<40x128xf32, #tpu.memory_space<vmem>>) target(%dma_start3A_229 : memref<40x128xf32, #tpu.memory_space<hbm>>) target_semaphore(%arg9 : memref<!tpu.dma_semaphore, #tpu.memory_space<semaphore_mem>>)
    } else {
    }
    %add3A_166 = arith.constant 192 : i32
    %add3A_167 = arith.addi %add3A, %add3A_166 : i32
    %lt3A_168 = arith.constant 250 : i32
    %lt3A_169 = arith.cmpi slt, %add3A_167, %lt3A_168 : i32
    %convert_element_type3A_170 = arith.extui %lt3A_169 : i1 to i32
    %cond3A_171 = arith.constant 0 : i32
    %cond3A_172 = arith.cmpi ne, %convert_element_type3A_170, %cond3A_171 : i32
    scf.if %cond3A_172 {
      %add3A_222 = arith.constant 192 : i32
      %add3A_223 = arith.addi %add3A, %add3A_222 : i32
      %mul3A_224 = arith.constant 40 : i32
      %mul3A_225 = arith.muli %add3A_223, %mul3A_224 : i32
      %dma_wait3A = arith.constant 0 : i32
      %dma_wait3A_226 = tpu.memref_slice %arg2[%mul3A_225, %dma_wait3A] : memref<10000x128xf32, #tpu.memory_space<hbm>> -> memref<40x128xf32, #tpu.memory_space<hbm>>
      %dma_wait3A_227 = arith.constant 0 : i32
      %dma_wait3A_228 = tpu.memref_slice %arg2[%mul3A_225, %dma_wait3A_227] : memref<10000x128xf32, #tpu.memory_space<hbm>> -> memref<40x128xf32, #tpu.memory_space<hbm>>
      tpu.wait_dma2 semaphore(%arg6 : memref<!tpu.dma_semaphore, #tpu.memory_space<semaphore_mem>>) src(%dma_wait3A_228 : memref<40x128xf32, #tpu.memory_space<hbm>>) dst(%arg4 : memref<40x128xf32, #tpu.memory_space<vmem>>)
    } else {
    }
    %add3A_173 = arith.constant 160 : i32
    %add3A_174 = arith.addi %add3A, %add3A_173 : i32
    %lt3A_175 = arith.constant 250 : i32
    %lt3A_176 = arith.cmpi slt, %add3A_174, %lt3A_175 : i32
    %convert_element_type3A_177 = arith.extui %lt3A_176 : i1 to i32
    %cond3A_178 = arith.constant 0 : i32
    %cond3A_179 = arith.cmpi ne, %convert_element_type3A_177, %cond3A_178 : i32
    scf.if %cond3A_179 {
      %add3A_222 = arith.constant 160 : i32
      %add3A_223 = arith.addi %add3A, %add3A_222 : i32
      %mul3A_224 = arith.constant 40 : i32
      %mul3A_225 = arith.muli %add3A_223, %mul3A_224 : i32
      %dma_wait3A = arith.constant 0 : i32
      %dma_wait3A_226 = tpu.memref_slice %arg3[%mul3A_225, %dma_wait3A] : memref<10000x128xf32, #tpu.memory_space<hbm>> -> memref<40x128xf32, #tpu.memory_space<hbm>>
      %dma_wait3A_227 = arith.constant 0 : i32
      %dma_wait3A_228 = tpu.memref_slice %arg3[%mul3A_225, %dma_wait3A_227] : memref<10000x128xf32, #tpu.memory_space<hbm>> -> memref<40x128xf32, #tpu.memory_space<hbm>>
      tpu.wait_dma2 semaphore(%arg9 : memref<!tpu.dma_semaphore, #tpu.memory_space<semaphore_mem>>) src(%arg5 : memref<40x128xf32, #tpu.memory_space<vmem>>) dst(%dma_wait3A_228 : memref<40x128xf32, #tpu.memory_space<hbm>>)
    } else {
    }
    %add3A_180 = arith.constant 224 : i32
    %add3A_181 = arith.addi %add3A, %add3A_180 : i32
    %lt3A_182 = arith.constant 250 : i32
    %lt3A_183 = arith.cmpi slt, %add3A_181, %lt3A_182 : i32
    %convert_element_type3A_184 = arith.extui %lt3A_183 : i1 to i32
    %cond3A_185 = arith.constant 0 : i32
    %cond3A_186 = arith.cmpi ne, %convert_element_type3A_184, %cond3A_185 : i32
    scf.if %cond3A_186 {
      %add3A_222 = arith.constant 224 : i32
      %add3A_223 = arith.addi %add3A, %add3A_222 : i32
      %mul3A_224 = arith.constant 40 : i32
      %mul3A_225 = arith.muli %add3A_223, %mul3A_224 : i32
      %dma_start3A_226 = arith.constant 0 : i32
      %dma_start3A_227 = tpu.memref_slice %arg2[%mul3A_225, %dma_start3A_226] : memref<10000x128xf32, #tpu.memory_space<hbm>> -> memref<40x128xf32, #tpu.memory_space<hbm>>
      %dma_start3A_228 = arith.constant 0 : i32
      %dma_start3A_229 = tpu.memref_slice %arg2[%mul3A_225, %dma_start3A_228] : memref<10000x128xf32, #tpu.memory_space<hbm>> -> memref<40x128xf32, #tpu.memory_space<hbm>>
      tpu.enqueue_dma source(%dma_start3A_229 : memref<40x128xf32, #tpu.memory_space<hbm>>) target(%arg5 : memref<40x128xf32, #tpu.memory_space<vmem>>) target_semaphore(%arg7 : memref<!tpu.dma_semaphore, #tpu.memory_space<semaphore_mem>>)
    } else {
    }
    %add3A_187 = arith.constant 192 : i32
    %add3A_188 = arith.addi %add3A, %add3A_187 : i32
    %lt3A_189 = arith.constant 250 : i32
    %lt3A_190 = arith.cmpi slt, %add3A_188, %lt3A_189 : i32
    %convert_element_type3A_191 = arith.extui %lt3A_190 : i1 to i32
    %cond3A_192 = arith.constant 0 : i32
    %cond3A_193 = arith.cmpi ne, %convert_element_type3A_191, %cond3A_192 : i32
    scf.if %cond3A_193 {
      %add3A_222 = arith.constant 192 : i32
      %add3A_223 = arith.addi %add3A, %add3A_222 : i32
      %mul3A_224 = arith.constant 40 : i32
      %mul3A_225 = arith.muli %add3A_223, %mul3A_224 : i32
      %dma_start3A_226 = arith.constant 0 : i32
      %dma_start3A_227 = tpu.memref_slice %arg3[%mul3A_225, %dma_start3A_226] : memref<10000x128xf32, #tpu.memory_space<hbm>> -> memref<40x128xf32, #tpu.memory_space<hbm>>
      %dma_start3A_228 = arith.constant 0 : i32
      %dma_start3A_229 = tpu.memref_slice %arg3[%mul3A_225, %dma_start3A_228] : memref<10000x128xf32, #tpu.memory_space<hbm>> -> memref<40x128xf32, #tpu.memory_space<hbm>>
      tpu.enqueue_dma source(%arg4 : memref<40x128xf32, #tpu.memory_space<vmem>>) target(%dma_start3A_229 : memref<40x128xf32, #tpu.memory_space<hbm>>) target_semaphore(%arg8 : memref<!tpu.dma_semaphore, #tpu.memory_space<semaphore_mem>>)
    } else {
    }
    %add3A_194 = arith.constant 224 : i32
    %add3A_195 = arith.addi %add3A, %add3A_194 : i32
    %lt3A_196 = arith.constant 250 : i32
    %lt3A_197 = arith.cmpi slt, %add3A_195, %lt3A_196 : i32
    %convert_element_type3A_198 = arith.extui %lt3A_197 : i1 to i32
    %cond3A_199 = arith.constant 0 : i32
    %cond3A_200 = arith.cmpi ne, %convert_element_type3A_198, %cond3A_199 : i32
    scf.if %cond3A_200 {
      %add3A_222 = arith.constant 224 : i32
      %add3A_223 = arith.addi %add3A, %add3A_222 : i32
      %mul3A_224 = arith.constant 40 : i32
      %mul3A_225 = arith.muli %add3A_223, %mul3A_224 : i32
      %dma_wait3A = arith.constant 0 : i32
      %dma_wait3A_226 = tpu.memref_slice %arg2[%mul3A_225, %dma_wait3A] : memref<10000x128xf32, #tpu.memory_space<hbm>> -> memref<40x128xf32, #tpu.memory_space<hbm>>
      %dma_wait3A_227 = arith.constant 0 : i32
      %dma_wait3A_228 = tpu.memref_slice %arg2[%mul3A_225, %dma_wait3A_227] : memref<10000x128xf32, #tpu.memory_space<hbm>> -> memref<40x128xf32, #tpu.memory_space<hbm>>
      tpu.wait_dma2 semaphore(%arg7 : memref<!tpu.dma_semaphore, #tpu.memory_space<semaphore_mem>>) src(%dma_wait3A_228 : memref<40x128xf32, #tpu.memory_space<hbm>>) dst(%arg5 : memref<40x128xf32, #tpu.memory_space<vmem>>)
    } else {
    }
    %add3A_201 = arith.constant 192 : i32
    %add3A_202 = arith.addi %add3A, %add3A_201 : i32
    %lt3A_203 = arith.constant 250 : i32
    %lt3A_204 = arith.cmpi slt, %add3A_202, %lt3A_203 : i32
    %convert_element_type3A_205 = arith.extui %lt3A_204 : i1 to i32
    %cond3A_206 = arith.constant 0 : i32
    %cond3A_207 = arith.cmpi ne, %convert_element_type3A_205, %cond3A_206 : i32
    scf.if %cond3A_207 {
      %add3A_222 = arith.constant 192 : i32
      %add3A_223 = arith.addi %add3A, %add3A_222 : i32
      %mul3A_224 = arith.constant 40 : i32
      %mul3A_225 = arith.muli %add3A_223, %mul3A_224 : i32
      %dma_wait3A = arith.constant 0 : i32
      %dma_wait3A_226 = tpu.memref_slice %arg3[%mul3A_225, %dma_wait3A] : memref<10000x128xf32, #tpu.memory_space<hbm>> -> memref<40x128xf32, #tpu.memory_space<hbm>>
      %dma_wait3A_227 = arith.constant 0 : i32
      %dma_wait3A_228 = tpu.memref_slice %arg3[%mul3A_225, %dma_wait3A_227] : memref<10000x128xf32, #tpu.memory_space<hbm>> -> memref<40x128xf32, #tpu.memory_space<hbm>>
      tpu.wait_dma2 semaphore(%arg8 : memref<!tpu.dma_semaphore, #tpu.memory_space<semaphore_mem>>) src(%arg4 : memref<40x128xf32, #tpu.memory_space<vmem>>) dst(%dma_wait3A_228 : memref<40x128xf32, #tpu.memory_space<hbm>>)
    } else {
    }
    %add3A_208 = arith.constant 224 : i32
    %add3A_209 = arith.addi %add3A, %add3A_208 : i32
    %lt3A_210 = arith.constant 250 : i32
    %lt3A_211 = arith.cmpi slt, %add3A_209, %lt3A_210 : i32
    %convert_element_type3A_212 = arith.extui %lt3A_211 : i1 to i32
    %cond3A_213 = arith.constant 0 : i32
    %cond3A_214 = arith.cmpi ne, %convert_element_type3A_212, %cond3A_213 : i32
    scf.if %cond3A_214 {
      %add3A_222 = arith.constant 224 : i32
      %add3A_223 = arith.addi %add3A, %add3A_222 : i32
      %mul3A_224 = arith.constant 40 : i32
      %mul3A_225 = arith.muli %add3A_223, %mul3A_224 : i32
      %dma_start3A_226 = arith.constant 0 : i32
      %dma_start3A_227 = tpu.memref_slice %arg3[%mul3A_225, %dma_start3A_226] : memref<10000x128xf32, #tpu.memory_space<hbm>> -> memref<40x128xf32, #tpu.memory_space<hbm>>
      %dma_start3A_228 = arith.constant 0 : i32
      %dma_start3A_229 = tpu.memref_slice %arg3[%mul3A_225, %dma_start3A_228] : memref<10000x128xf32, #tpu.memory_space<hbm>> -> memref<40x128xf32, #tpu.memory_space<hbm>>
      tpu.enqueue_dma source(%arg5 : memref<40x128xf32, #tpu.memory_space<vmem>>) target(%dma_start3A_229 : memref<40x128xf32, #tpu.memory_space<hbm>>) target_semaphore(%arg9 : memref<!tpu.dma_semaphore, #tpu.memory_space<semaphore_mem>>)
    } else {
    }
    %add3A_215 = arith.constant 224 : i32
    %add3A_216 = arith.addi %add3A, %add3A_215 : i32
    %lt3A_217 = arith.constant 250 : i32
    %lt3A_218 = arith.cmpi slt, %add3A_216, %lt3A_217 : i32
    %convert_element_type3A_219 = arith.extui %lt3A_218 : i1 to i32
    %cond3A_220 = arith.constant 0 : i32
    %cond3A_221 = arith.cmpi ne, %convert_element_type3A_219, %cond3A_220 : i32
    scf.if %cond3A_221 {
      %add3A_222 = arith.constant 224 : i32
      %add3A_223 = arith.addi %add3A, %add3A_222 : i32
      %mul3A_224 = arith.constant 40 : i32
      %mul3A_225 = arith.muli %add3A_223, %mul3A_224 : i32
      %dma_wait3A = arith.constant 0 : i32
      %dma_wait3A_226 = tpu.memref_slice %arg3[%mul3A_225, %dma_wait3A] : memref<10000x128xf32, #tpu.memory_space<hbm>> -> memref<40x128xf32, #tpu.memory_space<hbm>>
      %dma_wait3A_227 = arith.constant 0 : i32
      %dma_wait3A_228 = tpu.memref_slice %arg3[%mul3A_225, %dma_wait3A_227] : memref<10000x128xf32, #tpu.memory_space<hbm>> -> memref<40x128xf32, #tpu.memory_space<hbm>>
      tpu.wait_dma2 semaphore(%arg9 : memref<!tpu.dma_semaphore, #tpu.memory_space<semaphore_mem>>) src(%arg5 : memref<40x128xf32, #tpu.memory_space<vmem>>) dst(%dma_wait3A_228 : memref<40x128xf32, #tpu.memory_space<hbm>>)
    } else {
    }
    return
  }
}

module attributes {stable_mosaic.version = 14 : i64} {
  func.func @_tc_copy_u_body(%arg0: memref<64x64xf32, #tpu.memory_space<vmem>>, %arg1: memref<64x64xf32, #tpu.memory_space<vmem>>) attributes {dimension_semantics = [], scalar_prefetch = 0 : i64, scratch_operands = 0 : i64, tpu.core_type = #tpu.core_type<tc>} {
    %get3A = arith.constant 0 : index
    %get3A_0 = arith.constant 0 : index
    %get3A_1 = vector.load %arg0[%get3A, %get3A_0] : memref<64x64xf32, #tpu.memory_space<vmem>>, vector<64x64xf32>
    %swap3A = arith.constant 0 : index
    %swap3A_2 = arith.constant 0 : index
    %swap3A_3 = vector.load %arg1[%swap3A, %swap3A_2] : memref<64x64xf32, #tpu.memory_space<vmem>>, vector<64x64xf32>
    tpu.vector_store %arg1[%swap3A, %swap3A_2], %get3A_1 {strides = array<i32>} : memref<64x64xf32, #tpu.memory_space<vmem>>, vector<64x64xf32>,
    return
  }
}

</mosaic_0001>

<sc_bundles>
// kernel: kernel.4.cloned.1.call-start
scs
__scs_entry_jumppad:
0x0: {  	(pc) =	sbr.rel $0x88, $3  }
0x1: {  	(tag) =	ssettag $0x0;
	lr =	simm.s32 $0x1  }
0x2: {  	[smem:$0x3F9E] =	sst lr;
	_ =	strace $0xD0000000  }
0x3: {  	_ = 	snop  }
0x4: {  	_ = 	snop  }
0x5: {  	_ = 	snop  }
0x6: {  	_ = 	snop  }
0x7: {  	_ = 	snop  }
__scs_overlays_trampoline_lowered:
0x8: {  	[smem:$0x3FAD] =	sst s0  }
0x9: {  	[smem:$0x3FAE] =	sst s1  }
0xa: {  	[smem:$0x3FAF] =	sst s2  }
0xb: {  	[smem:$0x3FB0] =	sst s3  }
0xc: {  	[smem:$0x3FB1] =	sst s4  }
0xd: {  	[smem:$0x3FB2] =	sst s5  }
0xe: {  	[smem:$0x3FB3] =	sst s6  }
0xf: {  	[smem:$0x3FB4] =	sst s7  }
0x10: {  	[smem:$0x3FB5] =	sst s8  }
0x11: {  	[smem:$0x3FB6] =	sst s9;
	s0 =	simm.s32 @!p0 $0x0  }
0x12: {  	s1 =	sld [smem:$0x3F9C];
	s0 =	simm.s32 @p0 $0x1  }
0x13: {  	[smem:$0x3FB7] =	sst s0;
	s0 =	simm.s32 @!p1 $0x0  }
0x14: {  	s2 =	sld [smem:$0x3F9B];
	s0 =	simm.s32 @p1 $0x1  }
0x15: {  	[smem:$0x3FB8] =	sst s0;
	s0 =	simm.s32 @!p2 $0x0  }
0x16: {  	s3 =	sld [smem:$0x3FDB];
	s0 =	simm.s32 @p2 $0x1  }
0x17: {  	s4 =	simm.s32 $0x1BF5;
	[smem:$0x3FBA] =	sst s0  }
0x18: {  	s0 =	sld [smem:$0x3F9D];
	_ =	swait.ge [sflag:s4], $0x0  }
0x19: {  	s7 =	sld [smem:$0x3F9E]  }
0x1a: {  	s8 =	sadd.s32 $0xFFFFE003, lr  }
0x1b: {  	s9 =	sadd.s32 $0xFFFFFEF7, lr;
	s5 =	simm.s32 $0xFFFFFFFF;
	p2 =	slt.u32 s8, $0xFFFFF086  }
0x1c: {  	p1 =	slt.u32 s9, $0xF7A;
	s5 =	simm.s32 @!p2 $0x0  }
0x1d: {  	s5 =	simm.s32 @p1 $0x1;
	p0 =	seq.s32 s7, s2  }
0x1e: {  	s7 =	smul.u32 @!p0 $0xF7A, s2;
	p2 =	seq.s32 @!p0 s5, $0x0  }
0x1f: {  	s9 =	smul.u32 $0xF7A, s1;
	s8 =	simm.s32 @!p0 $0x1BF5;
	p2 =	por !p2, p0  }
0x20: {  	[sflag:s8] =	ssyncset.s32 @!p0 $0xFFFFF086;
	s6 =	sadd.s32 @!p0 s3, s7;
	s7 =	simm.s32 @!p0 $0x108  }
0x21: {  	s3 =	sadd.s32 s3, s9;
	s6 =	sadd.s32 @!p0 $0x88, s6;
	s7 =	simm.s32 @p2 $0x1082  }
0x22: {  	[simem:s7], [sflag:s8] =	dma.local @!p0 [hbm:s6], $0xF7A  }
0x23: {  	s9 =	sor.u32 $0xD0000000, s2;
	s6 =	simm.s32 $0x108;
	_ =	swait.ge @!p0 [sflag:s8], $0x0  }
0x24: {  	s3 =	sadd.s32 $0x88, s3;
	s6 =	simm.s32 @!p1 $0x1082;
	[sflag:s4] =	ssyncset.s32 $0xFFFFF086  }
0x25: {  	[simem:s6], [sflag:s4] =	dma.local [hbm:s3], $0xF7A  }
0x26: {  	[smem:$0x3F9E] =	sst s1;
	(tag) =	ssettag s2;
	_ =	strace s9  }
0x27: {  	s1 =	sld [smem:$0x3FAE]  }
0x28: {  	s2 =	sld [smem:$0x3FAF]  }
0x29: {  	s4 =	sld [smem:$0x3FB1]  }
0x2a: {  	p0 =	seq.s32 s5, $0x0;
	s5 =	sld [smem:$0x3FB2]  }
0x2b: {  	s6 =	sld [smem:$0x3FB3]  }
0x2c: {  	s7 =	sld [smem:$0x3FB4]  }
0x2d: {  	s3 =	simm.s32 $0x108;
	s8 =	sld [smem:$0x3FB5]  }
0x2e: {  	s3 =	simm.s32 @!p0 $0x1082;
	s9 =	sld [smem:$0x3FB6]  }
0x2f: {  	lr =	sadd.s32 s0, s3;
	s0 =	sld [smem:$0x3FAD]  }
0x30: {  	s3 =	sld [smem:$0x3FB0]  }
0x31: {  	[smem:$0x3FB9] =	sst s10  }
0x32: {  	s10 =	sld [smem:$0x3FB7];
	_ =	sdelay $0x3  }
0x33: {  	p0 =	seq.s32 s10, $0x1;
	s10 =	sld [smem:$0x3FB9];
	_ =	sdelay $0x3  }
0x34: {  	[smem:$0x3FB9] =	sst s10  }
0x35: {  	s10 =	sld [smem:$0x3FB8];
	_ =	sdelay $0x3  }
0x36: {  	p1 =	seq.s32 s10, $0x1;
	s10 =	sld [smem:$0x3FB9];
	_ =	sdelay $0x3  }
0x37: {  	[smem:$0x3FB9] =	sst s10  }
0x38: {  	s10 =	sld [smem:$0x3FBA]  }
0x39: {  	_ = 	snop;
	(pc) =	sbr.ind lr, $3  }
0x3a: {  	_ = 	snop  }
0x3b: {  	_ = 	snop  }
0x3c: {  	p2 =	seq.s32 s10, $0x1;
	s10 =	sld [smem:$0x3FB9]  }
0x3d: {  	_ =	shalt  }
0x3e: {  	_ =	shalt  }
0x3f: {  	_ =	shalt  }
0x40: {  	_ =	shalt  }
0x41: {  	_ =	shalt  }
0x42: {  	_ =	shalt  }
0x43: {  	_ =	shalt  }
0x44: {  	_ =	shalt  }
0x45: {  	_ =	shalt  }
0x46: {  	_ =	shalt  }
0x47: {  	_ =	shalt  }
0x48: {  	_ =	shalt  }
0x49: {  	_ =	shalt  }
0x4a: {  	_ =	shalt  }
0x4b: {  	_ =	shalt  }
0x4c: {  	_ =	shalt  }
0x4d: {  	_ =	shalt  }
0x4e: {  	_ =	shalt  }
0x4f: {  	_ =	shalt  }
0x50: {  	_ =	shalt  }
0x51: {  	_ =	shalt  }
0x52: {  	_ =	shalt  }
0x53: {  	_ =	shalt  }
0x54: {  	_ =	shalt  }
0x55: {  	_ =	shalt  }
0x56: {  	_ =	shalt  }
0x57: {  	_ =	shalt  }
0x58: {  	_ =	shalt  }
0x59: {  	_ =	shalt  }
0x5a: {  	_ =	shalt  }
0x5b: {  	_ =	shalt  }
0x5c: {  	_ =	shalt  }
0x5d: {  	_ =	shalt  }
0x5e: {  	_ =	shalt  }
0x5f: {  	_ =	shalt  }
0x60: {  	_ =	shalt  }
0x61: {  	_ =	shalt  }
0x62: {  	_ =	shalt  }
0x63: {  	_ =	shalt  }
0x64: {  	_ =	shalt  }
0x65: {  	_ =	shalt  }
0x66: {  	_ =	shalt  }
0x67: {  	_ =	shalt  }
0x68: {  	_ =	shalt  }
0x69: {  	_ =	shalt  }
0x6a: {  	_ =	shalt  }
0x6b: {  	_ =	shalt  }
0x6c: {  	_ =	shalt  }
0x6d: {  	_ =	shalt  }
0x6e: {  	_ =	shalt  }
0x6f: {  	_ =	shalt  }
0x70: {  	_ =	shalt  }
0x71: {  	_ =	shalt  }
0x72: {  	_ =	shalt  }
0x73: {  	_ =	shalt  }
0x74: {  	_ =	shalt  }
0x75: {  	_ =	shalt  }
0x76: {  	_ =	shalt  }
0x77: {  	_ =	shalt  }
0x78: {  	_ =	shalt  }
0x79: {  	_ =	shalt  }
0x7a: {  	_ =	shalt  }
0x7b: {  	_ =	shalt  }
0x7c: {  	_ =	shalt  }
0x7d: {  	_ =	shalt  }
0x7e: {  	_ =	shalt  }
0x7f: {  	_ =	shalt  }
0x80: {  	_ =	shalt  }
0x81: {  	_ =	shalt  }
0x82: {  	_ =	shalt  }
0x83: {  	_ =	shalt  }
0x84: {  	_ =	shalt  }
0x85: {  	_ =	shalt  }
0x86: {  	_ =	shalt  }
0x87: {  	_ =	shalt  }
.Lfunc_end0:
.L_simem_size_0:
called_computation_lowered:
.L_overlay_start_0:
0x88: {  	s2 =	sld [smem:$0x3FD9]  }
0x89: {  	s3 =	sld [smem:$0x3FFE];
	_ =	sdelay $0x1  }
0x8a: {  	s1 =	srdreg.scid  }
0x8b: {  	s0 =	sand.u32 $0x1, s1  }
0x8c: {  	s15 =	sshll.u32 s0, $0xA;
	s2 =	sadd.s32 s3, s2  }
0x8d: {  	s2 =	sadd.s32 s2, s15  }
0x8e: {  	[smem:$0x3FC5] =	sst s2  }
0x8f: {  	_ = 	snop  }
0x90: {  	s2 =	sld [smem:$0x3FD0];
	_ =	sdelay $0x2  }
0x91: {  	s4 =	simm.s32 $0xA;
	s5 =	simm.s32 $0x10;
	s16 =	sld [smem:$0x3FC9]  }
0x92: {  	[smem:s5], [sflag:s4] =	dma.local [hbm:s2], $0x1  }
0x93: {  	_ =	swait.eq [sflag:s4], $0x1  }
0x94: {  	[sflag:s4] =	ssyncset.done $0x0  }
0x95: {  	[sflag:s4] =	ssyncadd.s32 $0xFFFFFFFF  }
0x96: {  	s17 =	sld [smem:$0x10];
	(tm) =	ssettm $0x1  }
0x97: {  	s18 =	sld [smem:$0x3FFB];
	_ =	sdelay $0x3  }
0x98: {  	_ =	strace s18  }
0x99: {  	s4 =	sld [smem:$0x3FFC];
	_ =	sdelay $0x3  }
0x9a: {  	_ =	strace s4  }
0x9b: {  	s4 =	sld [smem:$0x3FFD];
	_ =	sdelay $0x3  }
0x9c: {  	_ =	strace s4  }
0x9d: {  	_ =	strace $0x8FFFFFFF  }
0x9e: {  	s19 =	sld [smem:$0x3FDB];
	_ =	sdelay $0x1  }
0x9f: {  	s20 =	simm.s32 $_scs_section_size  }
0xa0: {  	s6 =	simm.s32 $_size__tile_overlayer_lowered;
	s7 =	simm.s32 $_tile_overlayer_lowered  }
0xa1: {  	s23 =	simm.s32 $0x1BFF;
	s22 =	sshll.u32 s7, $0x1;
	s4 =	sadd.s32 s20, s19  }
0xa2: {  	s8 =	simm.s32 $0x0;
	s21 =	sshll.u32 s6, $0x1;
	s6 =	sadd.s32 s22, s4  }
0xa3: {  	[timem:s8], [sflag:s23] =	dma.local [hbm:s6], s21  }
0xa4: {  	_ =	swait.ge [sflag:s23], s21  }
0xa5: {  	s5 =	ssub.s32 $0x0, s21;
	[sflag:s23] =	ssyncset.done $0x0  }
0xa6: {  	[sflag:s23] =	ssyncadd.s32 s5;
	_ =	sdelay $0x1  }
0xa7: {  	s24 =	simm.s32 $0x1B8B  }
0xa8: {  	_ =	swait.ge [sflag:s24], $0x1  }
0xa9: {  	[sflag:s24] =	ssyncset.done $0x0  }
0xaa: {  	s25 =	simm.s32 $0x1B8E;
	[sflag:s24] =	ssyncadd.s32 $0xFFFFFFFF  }
0xab: {  	s26 =	simm.s32 $execute0_lowered;
	[smem:$0x3FD2] =	sst s25  }
0xac: {  	s5 =	sshll.u32 s26, $0x1;
	_ =	strace $0x80000046;
	[dreg:$0x1] =	wrdreg $0xFFFFFFFF  }
0xad: {  	s28 =	simm.s32 $_size_execute0_lowered;
	s4 =	sadd.s32 s4, s5;
	[dreg:$0x0] =	wrdreg $0x0  }
0xae: {  	s5 =	sshll.u32 s28, $0x1;
	[dreg:$0x2] =	wrdreg s4  }
0xaf: {  	[dreg:$0x3] =	wrdreg s5  }
0xb0: {  	[dreg:$0x4] =	wrdreg $0xC0  }
0xb1: {  	_ =	task [dreg:s8], $0x5FFFF  }
0xb2: {  	[dreg:$0x1] =	wrdreg $0xFFFFFFFF  }
0xb3: {  	[dreg:$0x0] =	wrdreg $0x60  }
0xb4: {  	[dreg:$0x2] =	wrdreg s16  }
0xb5: {  	[dreg:$0x3] =	wrdreg s17  }
0xb6: {  	[dreg:$0x4] =	wrdreg $0x9  }
0xb7: {  	_ =	task.clear_ibuf [dreg:s8], $0x5FFFF;
	_ =	strace $0x90000046  }
0xb8: {  	s29 =	simm.s32 $0x9;
	_ =	strace $0x80000048  }
0xb9: {  	_ =	swait.ge [sflag:s29], $0x1  }
0xba: {  	[sflag:s29] =	ssyncadd.s32 $0xFFFFFFFF  }
0xbb: {  	_ =	strace $0x90000048  }
0xbc: {  	_ =	sfence  }
0xbd: {  	s30 =	sld [smem:$0x0];
	_ =	sdelay $0x2  }
0xbe: {  	s31 =	sshll.u32 s1, $0xD;
	s1 =	sshrl.u32 s1, $0x2  }
0xbf: {  	s3 =	sand.u32 $0x4000, s31;
	s1 =	sadd.s32 s1, s30  }
0xc0: {  	s0 =	sor.u32 s3, s0;
	s1 =	sshll.u32 s1, $0x11  }
0xc1: {  	s0 =	sor.u32 s1, s0  }
0xc2: {  	s0 =	sadd.s32 $0x8F2B, s0  }
0xc3: {  	[sflag:s0] =	ssyncadd.remote.s32 $0x1  }
0xc4: {  	_ =	sfence.sel $0xFFFF  }
0xc5: {  	[dreg:$0x0] =	wrdreg $0xFFFFFFFF;
	(pc) =	sbr.abs _section_cstart, $3  }
0xc6: {  	[dreg:$0x1] =	wrdreg $0xFFFFFFFF  }
0xc7: {  	_ =	task.clear_ibuf [dreg:s8], $0x2FFFF;
	_ =	strace $0x9FFFFFFF  }
0xc8: {  	(tm) =	ssettm $0x7FFFFFFF  }
0xc9: {  	_ =	shalt  }
tec
execute0_lowered:
.L_overlay_start_1:
0x0: {  	(tag) =	ssettag $0x1  }
0x1: {  	s1 =	srdreg.scid;
	s0 =	stileid.u32  }
0x2: {  	s29 =	sand.u32 $0x1, s1;
	s26 =	sshll.u32 s0, $0x1  }
0x3: {  	s21 =	rddreg [dreg:$0x0];
	s3 =	sor.u32 s29, s26  }
0x4: {  	s28 =	rddreg [dreg:$0x1];
	s2 =	simm.s32 $0x0;
	s22 =	smul.u32 $0x280, s3  }
0x5: {  	s4 =	simm.s32 $0x1;
	[smem:$0x7FF] =	sst s2  }
0x6: {  	s1 =	rddreg [dreg:$0x2];
	_ =	strace $0x80000047;
	s3 =	sadd.s32 s21, s22  }
0x7: {  	[tilespmem:s2], [sflag:$0x1] =	stream.linear.gather [hbm4b:s3+s2], $0x1400, $0x38;
	[tilespmem:$0x2800] =	vst v63  }
0x8: {  	_ =	swait.ge [sflag:s4], $0x1400  }
0x9: {  	s11 =	sadd.s32 $0x5000, s22;
	[sflag:s4] =	ssyncset.done $0x0  }
0xa: {  	s6 =	simm.s32 $0x1400;
	s5 =	sadd.s32 s21, s11;
	[sflag:s4] =	ssyncadd.s32 $0xFFFFEC00  }
0xb: {  	[tilespmem:s6], [sflag:$0x2] =	stream.linear.gather [hbm4b:s5+s2], $0x1400, $0x38;
	[tilespmem:$0x2800] =	vst v63  }
0xc: {  	s8 =	simm.s32 $0x2;
	s7 =	sadd.s32 s28, s22  }
0xd: {  	[hbm4b:s7+s2] =	stream.linear.scatter [tilespmem:s2], [sflag:$0x3], $0x1400, $0x38;
	[tilespmem:$0x2800] =	vst v63  }
0xe: {  	_ =	swait.ge [sflag:s8], $0x1400  }
0xf: {  	[sflag:s8] =	ssyncset.done $0x0  }
0x10: {  	s9 =	simm.s32 $0x3;
	[sflag:s8] =	ssyncadd.s32 $0xFFFFEC00  }
0x11: {  	_ =	swait.ge [sflag:s9], $0x1400  }
0x12: {  	s14 =	sadd.s32 $0xA000, s22;
	[sflag:s9] =	ssyncset.done $0x0  }
0x13: {  	s10 =	sadd.s32 s21, s14;
	[sflag:s9] =	ssyncadd.s32 $0xFFFFEC00  }
0x14: {  	[tilespmem:s2], [sflag:$0x1] =	stream.linear.gather [hbm4b:s10+s2], $0x1400, $0x38;
	[tilespmem:$0x2800] =	vst v63  }
0x15: {  	s11 =	sadd.s32 s28, s11  }
0x16: {  	[hbm4b:s11+s2] =	stream.linear.scatter [tilespmem:s6], [sflag:$0x4], $0x1400, $0x38;
	[tilespmem:$0x2800] =	vst v63  }
0x17: {  	_ =	swait.ge [sflag:s4], $0x1400  }
0x18: {  	[sflag:s4] =	ssyncset.done $0x0  }
0x19: {  	s12 =	simm.s32 $0x4;
	[sflag:s4] =	ssyncadd.s32 $0xFFFFEC00  }
0x1a: {  	_ =	swait.ge [sflag:s12], $0x1400  }
0x1b: {  	s16 =	sadd.s32 $0xF000, s22;
	[sflag:s12] =	ssyncset.done $0x0  }
0x1c: {  	s13 =	sadd.s32 s21, s16;
	[sflag:s12] =	ssyncadd.s32 $0xFFFFEC00  }
0x1d: {  	[tilespmem:s6], [sflag:$0x2] =	stream.linear.gather [hbm4b:s13+s2], $0x1400, $0x38;
	[tilespmem:$0x2800] =	vst v63  }
0x1e: {  	s14 =	sadd.s32 s28, s14  }
0x1f: {  	[hbm4b:s14+s2] =	stream.linear.scatter [tilespmem:s2], [sflag:$0x3], $0x1400, $0x38;
	[tilespmem:$0x2800] =	vst v63  }
0x20: {  	_ =	swait.ge [sflag:s8], $0x1400  }
0x21: {  	[sflag:s8] =	ssyncset.done $0x0  }
0x22: {  	[sflag:s8] =	ssyncadd.s32 $0xFFFFEC00  }
0x23: {  	_ =	swait.ge [sflag:s9], $0x1400  }
0x24: {  	s18 =	sadd.s32 $0x14000, s22;
	[sflag:s9] =	ssyncset.done $0x0  }
0x25: {  	s15 =	sadd.s32 s21, s18;
	[sflag:s9] =	ssyncadd.s32 $0xFFFFEC00  }
0x26: {  	[tilespmem:s2], [sflag:$0x1] =	stream.linear.gather [hbm4b:s15+s2], $0x1400, $0x38;
	[tilespmem:$0x2800] =	vst v63  }
0x27: {  	s16 =	sadd.s32 s28, s16  }
0x28: {  	[hbm4b:s16+s2] =	stream.linear.scatter [tilespmem:s6], [sflag:$0x4], $0x1400, $0x38;
	[tilespmem:$0x2800] =	vst v63  }
0x29: {  	_ =	swait.ge [sflag:s4], $0x1400  }
0x2a: {  	[sflag:s4] =	ssyncset.done $0x0  }
0x2b: {  	[sflag:s4] =	ssyncadd.s32 $0xFFFFEC00  }
0x2c: {  	_ =	swait.ge [sflag:s12], $0x1400  }
0x2d: {  	s20 =	sadd.s32 $0x19000, s22;
	[sflag:s12] =	ssyncset.done $0x0  }
0x2e: {  	s17 =	sadd.s32 s21, s20;
	[sflag:s12] =	ssyncadd.s32 $0xFFFFEC00  }
0x2f: {  	[tilespmem:s6], [sflag:$0x2] =	stream.linear.gather [hbm4b:s17+s2], $0x1400, $0x38;
	[tilespmem:$0x2800] =	vst v63  }
0x30: {  	s18 =	sadd.s32 s28, s18  }
0x31: {  	[hbm4b:s18+s2] =	stream.linear.scatter [tilespmem:s2], [sflag:$0x3], $0x1400, $0x38;
	[tilespmem:$0x2800] =	vst v63  }
0x32: {  	_ =	swait.ge [sflag:s8], $0x1400  }
0x33: {  	[sflag:s8] =	ssyncset.done $0x0  }
0x34: {  	[sflag:s8] =	ssyncadd.s32 $0xFFFFEC00  }
0x35: {  	_ =	swait.ge [sflag:s9], $0x1400  }
0x36: {  	s24 =	sadd.s32 $0x1E000, s22;
	[sflag:s9] =	ssyncset.done $0x0  }
0x37: {  	s19 =	sadd.s32 s21, s24;
	[sflag:s9] =	ssyncadd.s32 $0xFFFFEC00  }
0x38: {  	[tilespmem:s2], [sflag:$0x1] =	stream.linear.gather [hbm4b:s19+s2], $0x1400, $0x38;
	[tilespmem:$0x2800] =	vst v63  }
0x39: {  	s20 =	sadd.s32 s28, s20  }
0x3a: {  	[hbm4b:s20+s2] =	stream.linear.scatter [tilespmem:s6], [sflag:$0x4], $0x1400, $0x38;
	[tilespmem:$0x2800] =	vst v63  }
0x3b: {  	_ =	swait.ge [sflag:s4], $0x1400  }
0x3c: {  	[sflag:s4] =	ssyncset.done $0x0  }
0x3d: {  	[sflag:s4] =	ssyncadd.s32 $0xFFFFEC00  }
0x3e: {  	p0 =	slt.u32 s0, $0xD;
	_ =	swait.ge [sflag:s12], $0x1400  }
0x3f: {  	s23 =	simm.s32 @p0 $0x1400;
	s30 =	sadd.s32 $0x23000, s22;
	[sflag:s12] =	ssyncset.done $0x0  }
0x40: {  	s22 =	simm.s32 @p0 $0x0;
	s21 =	sadd.s32 s21, s30;
	[sflag:s12] =	ssyncadd.s32 $0xFFFFEC00  }
0x41: {  	[tilespmem:s23], [sflag:$0x2] =	stream.linear.gather @p0 [hbm4b:s21+s22], $0x1400, $0x38;
	[tilespmem:$0x2800] =	vst v63  }
0x42: {  	s25 =	simm.s32 @p0 $0x2;
	s29 =	ssub.s32 $0x2, s29;
	s24 =	sadd.s32 s28, s24  }
0x43: {  	[hbm4b:s24+s22] =	stream.linear.scatter @p0 [tilespmem:s22], [sflag:$0x3], $0x1400, $0x38;
	[tilespmem:$0x2800] =	vst v63  }
0x44: {  	s31 =	sshrl.u32 s29, $0x1;
	_ =	swait.ge @p0 [sflag:s25], $0x1400  }
0x45: {  	s29 =	ssub.s32 s29, s31;
	[sflag:s25] =	ssyncset.done @p0 $0x0  }
0x46: {  	s26 =	simm.s32 @p0 $0x3;
	s29 =	smax.u32 s29, $0x1;
	[sflag:s25] =	ssyncadd.s32 @p0 $0xFFFFEC00  }
0x47: {  	s31 =	sadd.s32 $0xFFFFFFFF, s29;
	_ =	swait.ge @p0 [sflag:s26], $0x1400  }
0x48: {  	s28 =	sadd.s32 s28, s30;
	p1 =	sne.s32 s31, $0x0;
	[sflag:s26] =	ssyncset.done @p0 $0x0  }
.Ltmp0:
0x49: {  	s29 =	simm.s32 @!p0 $0x3;
	[sflag:s26] =	ssyncadd.s32 @p0 $0xFFFFEC00;
	(pc) =	sbr.rel @!p1 .LBB2_2-.Ltmp0, $4  }
0x4a: {  	[hbm4b:s28+s22] =	stream.linear.scatter @p0 [tilespmem:s23], [sflag:$0x4], $0x1400, $0x38;
	[tilespmem:$0x2800] =	vst v63  }
0x4b: {  	s30 =	simm.s32 @!p0 $0x0;
	s29 =	simm.s32 @p0 $0x4  }
0x4c: {  	[hbm4b:s24+s30] =	stream.linear.scatter @!p0 [tilespmem:s30], [sflag:$0x3], $0x1400, $0x38;
	[tilespmem:$0x2800] =	vst v63  }
0x4d: {  	_ =	swait.ge [sflag:s29], $0x1400  }
.LBB2_1:
0x4e: {  	s31 =	sadd.s32 $0xFFFFFFFF, s31;
	[sflag:s29] =	ssyncset.done $0x0  }
0x4f: {  	p1 =	sne.s32 s31, $0x0;
	[sflag:s29] =	ssyncadd.s32 $0xFFFFEC00  }
0x50: {  	[tilespmem:s2], [sflag:$0x1] =	stream.linear.gather [hbm4b:s3+s2], $0x1400, $0x38;
	[tilespmem:$0x2800] =	vst v63  }
0x51: {  	_ =	swait.ge [sflag:s4], $0x1400  }
0x52: {  	[sflag:s4] =	ssyncset.done $0x0  }
0x53: {  	[sflag:s4] =	ssyncadd.s32 $0xFFFFEC00  }
0x54: {  	[tilespmem:s6], [sflag:$0x2] =	stream.linear.gather [hbm4b:s5+s2], $0x1400, $0x38;
	[tilespmem:$0x2800] =	vst v63  }
0x55: {  	_ = 	snop  }
0x56: {  	[hbm4b:s7+s2] =	stream.linear.scatter [tilespmem:s2], [sflag:$0x3], $0x1400, $0x38;
	[tilespmem:$0x2800] =	vst v63  }
0x57: {  	_ =	swait.ge [sflag:s8], $0x1400  }
0x58: {  	[sflag:s8] =	ssyncset.done $0x0  }
0x59: {  	[sflag:s8] =	ssyncadd.s32 $0xFFFFEC00  }
0x5a: {  	_ =	swait.ge [sflag:s9], $0x1400  }
0x5b: {  	[sflag:s9] =	ssyncset.done $0x0  }
0x5c: {  	[sflag:s9] =	ssyncadd.s32 $0xFFFFEC00  }
0x5d: {  	[tilespmem:s2], [sflag:$0x1] =	stream.linear.gather [hbm4b:s10+s2], $0x1400, $0x38;
	[tilespmem:$0x2800] =	vst v63  }
0x5e: {  	_ = 	snop  }
0x5f: {  	[hbm4b:s11+s2] =	stream.linear.scatter [tilespmem:s6], [sflag:$0x4], $0x1400, $0x38;
	[tilespmem:$0x2800] =	vst v63  }
0x60: {  	_ =	swait.ge [sflag:s4], $0x1400  }
0x61: {  	[sflag:s4] =	ssyncset.done $0x0  }
0x62: {  	[sflag:s4] =	ssyncadd.s32 $0xFFFFEC00  }
0x63: {  	_ =	swait.ge [sflag:s12], $0x1400  }
0x64: {  	[sflag:s12] =	ssyncset.done $0x0  }
0x65: {  	[sflag:s12] =	ssyncadd.s32 $0xFFFFEC00  }
0x66: {  	[tilespmem:s6], [sflag:$0x2] =	stream.linear.gather [hbm4b:s13+s2], $0x1400, $0x38;
	[tilespmem:$0x2800] =	vst v63  }
0x67: {  	_ = 	snop  }
0x68: {  	[hbm4b:s14+s2] =	stream.linear.scatter [tilespmem:s2], [sflag:$0x3], $0x1400, $0x38;
	[tilespmem:$0x2800] =	vst v63  }
0x69: {  	_ =	swait.ge [sflag:s8], $0x1400  }
0x6a: {  	[sflag:s8] =	ssyncset.done $0x0  }
0x6b: {  	[sflag:s8] =	ssyncadd.s32 $0xFFFFEC00  }
0x6c: {  	_ =	swait.ge [sflag:s9], $0x1400  }
0x6d: {  	[sflag:s9] =	ssyncset.done $0x0  }
0x6e: {  	[sflag:s9] =	ssyncadd.s32 $0xFFFFEC00  }
0x6f: {  	[tilespmem:s2], [sflag:$0x1] =	stream.linear.gather [hbm4b:s15+s2], $0x1400, $0x38;
	[tilespmem:$0x2800] =	vst v63  }
0x70: {  	_ = 	snop  }
0x71: {  	[hbm4b:s16+s2] =	stream.linear.scatter [tilespmem:s6], [sflag:$0x4], $0x1400, $0x38;
	[tilespmem:$0x2800] =	vst v63  }
0x72: {  	_ =	swait.ge [sflag:s4], $0x1400  }
0x73: {  	[sflag:s4] =	ssyncset.done $0x0  }
0x74: {  	[sflag:s4] =	ssyncadd.s32 $0xFFFFEC00  }
0x75: {  	_ =	swait.ge [sflag:s12], $0x1400  }
0x76: {  	[sflag:s12] =	ssyncset.done $0x0  }
0x77: {  	[sflag:s12] =	ssyncadd.s32 $0xFFFFEC00  }
0x78: {  	[tilespmem:s6], [sflag:$0x2] =	stream.linear.gather [hbm4b:s17+s2], $0x1400, $0x38;
	[tilespmem:$0x2800] =	vst v63  }
0x79: {  	_ = 	snop  }
0x7a: {  	[hbm4b:s18+s2] =	stream.linear.scatter [tilespmem:s2], [sflag:$0x3], $0x1400, $0x38;
	[tilespmem:$0x2800] =	vst v63  }
0x7b: {  	_ =	swait.ge [sflag:s8], $0x1400  }
0x7c: {  	[sflag:s8] =	ssyncset.done $0x0  }
0x7d: {  	[sflag:s8] =	ssyncadd.s32 $0xFFFFEC00  }
0x7e: {  	_ =	swait.ge [sflag:s9], $0x1400  }
0x7f: {  	[sflag:s9] =	ssyncset.done $0x0  }
0x80: {  	[sflag:s9] =	ssyncadd.s32 $0xFFFFEC00  }
0x81: {  	[tilespmem:s2], [sflag:$0x1] =	stream.linear.gather [hbm4b:s19+s2], $0x1400, $0x38;
	[tilespmem:$0x2800] =	vst v63  }
0x82: {  	_ = 	snop  }
0x83: {  	[hbm4b:s20+s2] =	stream.linear.scatter [tilespmem:s6], [sflag:$0x4], $0x1400, $0x38;
	[tilespmem:$0x2800] =	vst v63  }
0x84: {  	_ =	swait.ge [sflag:s4], $0x1400  }
0x85: {  	[sflag:s4] =	ssyncset.done $0x0  }
0x86: {  	[sflag:s4] =	ssyncadd.s32 $0xFFFFEC00  }
0x87: {  	_ =	swait.ge [sflag:s12], $0x1400  }
0x88: {  	[sflag:s12] =	ssyncset.done $0x0  }
0x89: {  	[sflag:s12] =	ssyncadd.s32 $0xFFFFEC00  }
0x8a: {  	[tilespmem:s23], [sflag:$0x2] =	stream.linear.gather @p0 [hbm4b:s21+s22], $0x1400, $0x38;
	[tilespmem:$0x2800] =	vst v63  }
0x8b: {  	_ = 	snop  }
0x8c: {  	[hbm4b:s24+s22] =	stream.linear.scatter @p0 [tilespmem:s22], [sflag:$0x3], $0x1400, $0x38;
	[tilespmem:$0x2800] =	vst v63  }
0x8d: {  	_ =	swait.ge @p0 [sflag:s25], $0x1400  }
0x8e: {  	[sflag:s25] =	ssyncset.done @p0 $0x0  }
0x8f: {  	[sflag:s25] =	ssyncadd.s32 @p0 $0xFFFFEC00  }
0x90: {  	_ =	swait.ge @p0 [sflag:s26], $0x1400  }
0x91: {  	[sflag:s26] =	ssyncset.done @p0 $0x0  }
0x92: {  	[sflag:s26] =	ssyncadd.s32 @p0 $0xFFFFEC00  }
0x93: {  	[hbm4b:s28+s22] =	stream.linear.scatter @p0 [tilespmem:s23], [sflag:$0x4], $0x1400, $0x38;
	[tilespmem:$0x2800] =	vst v63  }
.Ltmp1:
0x94: {  	_ = 	snop;
	(pc) =	sbr.rel @p1 .LBB2_1-.Ltmp1, $4  }
0x95: {  	_ = 	snop  }
0x96: {  	[hbm4b:s24+s30] =	stream.linear.scatter @!p0 [tilespmem:s30], [sflag:$0x3], $0x1400, $0x38;
	[tilespmem:$0x2800] =	vst v63  }
0x97: {  	_ = 	snop  }
0x98: {  	_ =	swait.ge [sflag:s29], $0x1400  }
.LBB2_2:
0x99: {  	[sflag:s29] =	ssyncset.done $0x0  }
0x9a: {  	[sflag:s29] =	ssyncadd.s32 $0xFFFFEC00  }
0x9b: {  	_ =	sfence.sel $0x180000  }
0x9c: {  	[bflag:$0x0] =	sbarrier.arrive $0xFFFF  }
0x9d: {  	p0 =	sne.s32 s0, $0x0;
	_ =	strace $0x90000047  }
0x9e: {  	s0 =	sadd.s32 @!p0 $0x100000, s1;
	[bflag:$0x2] =	sbarrier.arrive $0xFFFF  }
0x9f: {  	[sflag:s0] =	ssyncadd.tile.s32 @!p0 $0x1;
	_ =	shalt  }
.Lfunc_end2:
_tile_overlayer_lowered:
.L_overlay_start_2:
0xa0: {  	(tag) =	ssettag $0x2  }
0xa1: {  	s0 =	rddreg [dreg:$0x0];
	s2 =	stileid.u32  }
0xa2: {  	s1 =	rddreg [dreg:$0x1];
	p0 =	sne.s32 s2, $0x0  }
0xa3: {  	s3 =	rddreg [dreg:$0x2];
	[bflag:$0x3] =	sbarrier.arrive $0xFFFF;
	s2 =	simm.s32 @!p0 $0x1C05  }
0xa4: {  	[timem:s3], [sflag:s2] =	dma.local @!p0 [hbm:s0], s1  }
0xa5: {  	s0 =	simm.s32 @!p0 $0x5  }
0xa6: {  	_ =	swait.ge @!p0 [sflag:s0], s1  }
0xa7: {  	s1 =	ssub.s32 @!p0 $0x0, s1;
	[sflag:s0] =	ssyncset.done @!p0 $0x0  }
0xa8: {  	[sflag:s0] =	ssyncadd.s32 @!p0 s1  }
0xa9: {  	[bflag:$0x3] =	sbarrier.arrive $0xFFFF  }
0xaa: {  	_ =	shalt  }

</sc_bundles>
